<compile_context>
chip_gen: v7x
topology: tpu7x:2x2x1
jax: 0.10.2.dev20260603
libtpu: 0.0.44.dev20260713+nightly
codegen_flags: <defaults>
</compile_context>

<pallas_src>
import functools
import jax
import jax.numpy as jnp
from jax import lax
from jax.experimental import pallas as pl
from jax.experimental.pallas import tpu as pltpu
from jax.experimental.pallas import tpu_sc as plsc

G = 30
C = 10
BIG = 1000000000.0
BCH = 256


def _sc_cell(B):
    mesh = plsc.VectorSubcoreMesh(core_axis_name="c", subcore_axis_name="s")

    @functools.partial(
        pl.kernel, mesh=mesh,
        out_type=jax.ShapeDtypeStruct((G, C, G, B), jnp.float32),
        scratch_types=[
            pltpu.VMEM((G, BCH), jnp.int32),
            pltpu.VMEM((C, G, BCH), jnp.float32),
            pltpu.SemaphoreType.DMA,
            pltpu.SemaphoreType.DMA,
        ],
    )
    def k(gt_hbm, out_hbm, g_v, o_v, sem_in, sem_out):
        wid = lax.axis_index("s") * 2 + lax.axis_index("c")

        @pl.when(wid < G)
        def _():
            def chunk_body(ci, carry):
                b0 = ci * BCH
                pltpu.async_copy(
                    gt_hbm.at[wid, :, pl.ds(b0, BCH)], g_v, sem_in).wait()

                def j_body(j, c2):
                    def v_body(v, c3):
                        g16 = g_v[j, pl.ds(v * 16, 16)]
                        for c in range(C):
                            o_v[c, j, pl.ds(v * 16, 16)] = jnp.where(
                                g16 == c, BIG, -BIG)
                        return c3
                    return lax.fori_loop(0, BCH // 16, v_body, c2)

                lax.fori_loop(0, G, j_body, 0)
                pltpu.async_copy(
                    o_v, out_hbm.at[wid, :, :, pl.ds(b0, BCH)], sem_out).wait()
                return carry

            lax.fori_loop(0, B // BCH, chunk_body, 0)

    return k


def _hw_body(mt_ref, hlt_ref, wlt_ref):
    m = mt_ref[...]
    bb = m.shape[-1]
    row_any = jnp.any(m, axis=1)
    col_any = jnp.any(m, axis=0)
    h = jnp.sum(row_any.astype(jnp.int32), axis=0) - 1
    w = jnp.sum(col_any.astype(jnp.int32), axis=0) - 1
    h = jnp.where(h < 0, h + G, h)
    w = jnp.where(w < 0, w + G, w)
    iot = jax.lax.broadcasted_iota(jnp.int32, (G, bb), 0)
    hlt_ref[...] = jnp.where(iot == h[None, :], BIG, -BIG)
    wlt_ref[...] = jnp.where(iot == w[None, :], BIG, -BIG)


def _build_hw(B, Bb):
    grid = (B // Bb,)
    return pl.pallas_call(
        _hw_body,
        grid=grid,
        in_specs=[pl.BlockSpec((G, G, Bb), lambda i: (0, 0, i))],
        out_specs=[
            pl.BlockSpec((G, Bb), lambda i: (0, i)),
            pl.BlockSpec((G, Bb), lambda i: (0, i)),
        ],
        out_shape=[
            jax.ShapeDtypeStruct((G, B), jnp.float32),
            jax.ShapeDtypeStruct((G, B), jnp.float32),
        ],
    )


def kernel(demo_input_grids, demo_input_masks, demo_output_grids,
           demo_output_masks, demo_mask, query_input_grid, query_input_mask):
    del demo_input_grids, demo_input_masks, demo_output_grids
    del demo_output_masks, demo_mask
    B = query_input_grid.shape[0]
    gt = jnp.transpose(query_input_grid, (1, 2, 0))
    mt = jnp.transpose(query_input_mask, (1, 2, 0))
    cellt = _sc_cell(B)(gt)
    hlt, wlt = _build_hw(B, 512)(mt)
    return (hlt.T, wlt.T, jnp.transpose(cellt, (3, 0, 2, 1)))

# --- scband reference (transcript-rebuilt; emitter-appended) ---
"""Pipeline reference for scband-copy-query-model-90572270338305 (READ-ONLY COPY).

The authoritative reference and input builder live on the scoring server;
editing this copy changes nothing except your own understanding.
"""

import jax, jax.numpy as jnp
import numpy as np

MAX_GRID = 30
NUM_COLORS = 10
BATCH = 4096
N_DEMOS = 4


def setup_inputs(seed: int = 0) -> dict:
    key = jax.random.key(seed)
    ks = jax.random.split(key, 4)
    B, D, G = BATCH, N_DEMOS, MAX_GRID
    demo_input_grids = jax.random.randint(ks[0], (B, D, G, G), 0, NUM_COLORS, dtype=jnp.int32)
    demo_input_masks = jnp.ones((B, D, G, G), dtype=bool)
    demo_output_grids = jax.random.randint(ks[1], (B, D, G, G), 0, NUM_COLORS, dtype=jnp.int32)
    demo_output_masks = jnp.ones((B, D, G, G), dtype=bool)
    demo_mask = jnp.ones((B, D), dtype=bool)
    query_input_grid = jax.random.randint(ks[2], (B, G, G), 0, NUM_COLORS, dtype=jnp.int32)
    query_input_mask = jnp.ones((B, G, G), dtype=bool)
    return {
        'demo_input_grids': demo_input_grids,
        'demo_input_masks': demo_input_masks,
        'demo_output_grids': demo_output_grids,
        'demo_output_masks': demo_output_masks,
        'demo_mask': demo_mask,
        'query_input_grid': query_input_grid,
        'query_input_mask': query_input_mask,
    }


def reference(demo_input_grids, demo_input_masks, demo_output_grids, demo_output_masks, demo_mask, query_input_grid, query_input_mask):
    del demo_input_grids, demo_input_masks, demo_output_grids, demo_output_masks, demo_mask
    B, G, _ = query_input_grid.shape
    height_indices = jnp.any(query_input_mask, axis=2).sum(axis=1) - 1
    width_indices = jnp.any(query_input_mask, axis=1).sum(axis=1) - 1
    height_logits = jnp.full((B, G), -1000000000.0, dtype=jnp.float32)
    width_logits = jnp.full((B, G), -1000000000.0, dtype=jnp.float32)
    batch_ar = jnp.arange(B)
    height_logits = height_logits.at[batch_ar, height_indices].set(1000000000.0)
    width_logits = width_logits.at[batch_ar, width_indices].set(1000000000.0)
    safe_query_grid = jnp.where(query_input_mask, query_input_grid, 0)
    cell_logits = jnp.full((B, G, G, NUM_COLORS), -1000000000.0, dtype=jnp.float32)
    b = jnp.arange(B)[:, None, None]
    i = jnp.arange(G)[None, :, None]
    j = jnp.arange(G)[None, None, :]
    cell_logits = cell_logits.at[b, i, j, safe_query_grid].set(1000000000.0)
    return (height_logits, width_logits, cell_logits)

if __name__ == "__main__":
    import jax
    _d = setup_inputs()
    print(jax.jit(kernel)(*tuple(_d.values())))

</pallas_src>

<mosaic_0001>
#map = affine_map<(d0, d1) -> (0, 0, 0)>
#map1 = affine_map<(d0, d1) -> (0, 0, 0, 0)>
module attributes {stable_mosaic.version = 14 : i64} {
  func.func @k(%arg0: i32, %arg1: i32, %arg2: memref<30x30x4096xi32, #tpu.memory_space<hbm>>, %arg3: memref<30x10x30x4096xf32, #tpu.memory_space<hbm>>, %arg4: memref<30x256xi32, #tpu.memory_space<vmem>>, %arg5: memref<10x30x256xf32, #tpu.memory_space<vmem>>, %arg6: memref<!tpu.dma_semaphore, #tpu.memory_space<semaphore_mem>>, %arg7: memref<!tpu.dma_semaphore, #tpu.memory_space<semaphore_mem>>) attributes {dimension_semantics = [#tpu.dimension_semantics<core_parallel>, #tpu.dimension_semantics<subcore_parallel>], iteration_bounds = array<i64: 2, 16>, scalar_prefetch = 0 : i64, scratch_operands = 4 : i64, tpu.core_type = #tpu.core_type<sc_vector_subcore>, window_params = [{transform_indices = #map}, {transform_indices = #map1}]} {
    %mul3A = arith.constant 2 : i32
    %mul3A_0 = arith.muli %arg1, %mul3A : i32
    %add3A = arith.addi %mul3A_0, %arg0 : i32
    %lt3A = arith.constant 30 : i32
    %lt3A_1 = arith.cmpi slt, %add3A, %lt3A : i32
    %convert_element_type3A = arith.extui %lt3A_1 : i1 to i32
    %cond3A = arith.constant 0 : i32
    %cond3A_2 = arith.cmpi ne, %convert_element_type3A, %cond3A : i32
    scf.if %cond3A_2 {
      %scan3A = arith.constant 0 : i32
      %scan3A_3 = arith.constant 0 : i32
      %scan3A_4 = arith.constant 16 : i32
      %scan3A_5 = arith.addi %scan3A_3, %scan3A_4 : i32
      %scan3A_6 = arith.constant 1 : i32
      scf.for %scan3A_8 = %scan3A_3 to %scan3A_5 step %scan3A_6  : i32 {
        %mul3A_9 = arith.constant 256 : i32
        %mul3A_10 = arith.muli %scan3A_8, %mul3A_9 : i32
        %dma_start3A = arith.constant 0 : i32
        %dma_start3A_11 = tpu.memref_slice %arg2[%add3A, %dma_start3A, %mul3A_10] : memref<30x30x4096xi32, #tpu.memory_space<hbm>> -> memref<1x30x256xi32, #tpu.memory_space<hbm>>
        %dma_start3A_12 = tpu.memref_squeeze %dma_start3A_11 : memref<1x30x256xi32, #tpu.memory_space<hbm>> -> memref<30x256xi32, #tpu.memory_space<hbm>>
        %dma_start3A_13 = arith.constant 0 : i32
        %dma_start3A_14 = tpu.memref_slice %arg2[%add3A, %dma_start3A_13, %mul3A_10] : memref<30x30x4096xi32, #tpu.memory_space<hbm>> -> memref<1x30x256xi32, #tpu.memory_space<hbm>>
        %dma_start3A_15 = tpu.memref_squeeze %dma_start3A_14 : memref<1x30x256xi32, #tpu.memory_space<hbm>> -> memref<30x256xi32, #tpu.memory_space<hbm>>
        tpu.enqueue_dma source(%dma_start3A_15 : memref<30x256xi32, #tpu.memory_space<hbm>>) target(%arg4 : memref<30x256xi32, #tpu.memory_space<vmem>>) target_semaphore(%arg6 : memref<!tpu.dma_semaphore, #tpu.memory_space<semaphore_mem>>)
        %dma_wait3A = arith.constant 0 : i32
        %dma_wait3A_16 = tpu.memref_slice %arg2[%add3A, %dma_wait3A, %mul3A_10] : memref<30x30x4096xi32, #tpu.memory_space<hbm>> -> memref<1x30x256xi32, #tpu.memory_space<hbm>>
        %dma_wait3A_17 = tpu.memref_squeeze %dma_wait3A_16 : memref<1x30x256xi32, #tpu.memory_space<hbm>> -> memref<30x256xi32, #tpu.memory_space<hbm>>
        %dma_wait3A_18 = arith.constant 0 : i32
        %dma_wait3A_19 = tpu.memref_slice %arg2[%add3A, %dma_wait3A_18, %mul3A_10] : memref<30x30x4096xi32, #tpu.memory_space<hbm>> -> memref<1x30x256xi32, #tpu.memory_space<hbm>>
        %dma_wait3A_20 = tpu.memref_squeeze %dma_wait3A_19 : memref<1x30x256xi32, #tpu.memory_space<hbm>> -> memref<30x256xi32, #tpu.memory_space<hbm>>
        tpu.wait_dma2 semaphore(%arg6 : memref<!tpu.dma_semaphore, #tpu.memory_space<semaphore_mem>>) src(%dma_wait3A_20 : memref<30x256xi32, #tpu.memory_space<hbm>>) dst(%arg4 : memref<30x256xi32, #tpu.memory_space<vmem>>)
        %scan3A_21 = arith.constant 0 : i32
        %scan3A_22 = arith.constant 0 : i32
        %scan3A_23 = arith.constant 30 : i32
        %scan3A_24 = arith.addi %scan3A_22, %scan3A_23 : i32
        %scan3A_25 = arith.constant 1 : i32
        scf.for %scan3A_43 = %scan3A_22 to %scan3A_24 step %scan3A_25  : i32 {
          %scan3A_44 = arith.constant 0 : i32
          %scan3A_45 = arith.constant 16 : i32
          %scan3A_46 = arith.addi %scan3A_44, %scan3A_45 : i32
          %scan3A_47 = arith.constant 1 : i32
          scf.for %scan3A_49 = %scan3A_44 to %scan3A_46 step %scan3A_47  : i32 {
            %mul3A_50 = arith.constant 16 : i32
            %mul3A_51 = arith.muli %scan3A_49, %mul3A_50 : i32
            %get3A = arith.index_cast %scan3A_43 : i32 to index
            %get3A_52 = arith.index_cast %mul3A_51 : i32 to index
            %get3A_53 = tpu.vector_load %arg4[%get3A, %get3A_52] {strides = array<i32>} : memref<30x256xi32, #tpu.memory_space<vmem>>, vector<1x16xi32>,
            %get3A_54 = vector.shape_cast %get3A_53 : vector<1x16xi32> to vector<16xi32>
            %eq3A = arith.constant 0 : i32
            %eq3A_55 = vector.broadcast %eq3A : i32 to vector<16xi32>
            %eq3A_56 = arith.cmpi eq, %get3A_54, %eq3A_55 : vector<16xi32>
            %jit3A = arith.constant 1.000000e+09 : f32
            %jit3A_57 = arith.constant -1.000000e+09 : f32
            %broadcast_in_dim3A = vector.broadcast %jit3A : f32 to vector<16xf32>
            %broadcast_in_dim3A_58 = vector.broadcast %jit3A_57 : f32 to vector<16xf32>
            %select_n3A = arith.select %eq3A_56, %broadcast_in_dim3A, %broadcast_in_dim3A_58 : vector<16xi1>, vector<16xf32>
            %mul3A_59 = arith.constant 16 : i32
            %mul3A_60 = arith.muli %scan3A_49, %mul3A_59 : i32
            %swap3A = arith.constant 0 : i32
            %swap3A_61 = arith.index_cast %swap3A : i32 to index
            %swap3A_62 = arith.index_cast %scan3A_43 : i32 to index
            %swap3A_63 = arith.index_cast %mul3A_60 : i32 to index
            %swap3A_64 = tpu.vector_load %arg5[%swap3A_61, %swap3A_62, %swap3A_63] {strides = array<i32>} : memref<10x30x256xf32, #tpu.memory_space<vmem>>, vector<1x1x16xf32>,
            %swap3A_65 = vector.shape_cast %swap3A_64 : vector<1x1x16xf32> to vector<16xf32>
            %swap3A_66 = vector.shape_cast %select_n3A : vector<16xf32> to vector<1x1x16xf32>
            tpu.vector_store %arg5[%swap3A_61, %swap3A_62, %swap3A_63], %swap3A_66 {strides = array<i32>} : memref<10x30x256xf32, #tpu.memory_space<vmem>>, vector<1x1x16xf32>,
            %eq3A_67 = arith.constant 1 : i32
            %eq3A_68 = vector.broadcast %eq3A_67 : i32 to vector<16xi32>
            %eq3A_69 = arith.cmpi eq, %get3A_54, %eq3A_68 : vector<16xi32>
            %jit3A_70 = arith.constant 1.000000e+09 : f32
            %jit3A_71 = arith.constant -1.000000e+09 : f32
            %broadcast_in_dim3A_72 = vector.broadcast %jit3A_70 : f32 to vector<16xf32>
            %broadcast_in_dim3A_73 = vector.broadcast %jit3A_71 : f32 to vector<16xf32>
            %select_n3A_74 = arith.select %eq3A_69, %broadcast_in_dim3A_72, %broadcast_in_dim3A_73 : vector<16xi1>, vector<16xf32>
            %mul3A_75 = arith.constant 16 : i32
            %mul3A_76 = arith.muli %scan3A_49, %mul3A_75 : i32
            %swap3A_77 = arith.constant 1 : i32
            %swap3A_78 = arith.index_cast %swap3A_77 : i32 to index
            %swap3A_79 = arith.index_cast %scan3A_43 : i32 to index
            %swap3A_80 = arith.index_cast %mul3A_76 : i32 to index
            %swap3A_81 = tpu.vector_load %arg5[%swap3A_78, %swap3A_79, %swap3A_80] {strides = array<i32>} : memref<10x30x256xf32, #tpu.memory_space<vmem>>, vector<1x1x16xf32>,
            %swap3A_82 = vector.shape_cast %swap3A_81 : vector<1x1x16xf32> to vector<16xf32>
            %swap3A_83 = vector.shape_cast %select_n3A_74 : vector<16xf32> to vector<1x1x16xf32>
            tpu.vector_store %arg5[%swap3A_78, %swap3A_79, %swap3A_80], %swap3A_83 {strides = array<i32>} : memref<10x30x256xf32, #tpu.memory_space<vmem>>, vector<1x1x16xf32>,
            %eq3A_84 = arith.constant 2 : i32
            %eq3A_85 = vector.broadcast %eq3A_84 : i32 to vector<16xi32>
            %eq3A_86 = arith.cmpi eq, %get3A_54, %eq3A_85 : vector<16xi32>
            %jit3A_87 = arith.constant 1.000000e+09 : f32
            %jit3A_88 = arith.constant -1.000000e+09 : f32
            %broadcast_in_dim3A_89 = vector.broadcast %jit3A_87 : f32 to vector<16xf32>
            %broadcast_in_dim3A_90 = vector.broadcast %jit3A_88 : f32 to vector<16xf32>
            %select_n3A_91 = arith.select %eq3A_86, %broadcast_in_dim3A_89, %broadcast_in_dim3A_90 : vector<16xi1>, vector<16xf32>
            %mul3A_92 = arith.constant 16 : i32
            %mul3A_93 = arith.muli %scan3A_49, %mul3A_92 : i32
            %swap3A_94 = arith.constant 2 : i32
            %swap3A_95 = arith.index_cast %swap3A_94 : i32 to index
            %swap3A_96 = arith.index_cast %scan3A_43 : i32 to index
            %swap3A_97 = arith.index_cast %mul3A_93 : i32 to index
            %swap3A_98 = tpu.vector_load %arg5[%swap3A_95, %swap3A_96, %swap3A_97] {strides = array<i32>} : memref<10x30x256xf32, #tpu.memory_space<vmem>>, vector<1x1x16xf32>,
            %swap3A_99 = vector.shape_cast %swap3A_98 : vector<1x1x16xf32> to vector<16xf32>
            %swap3A_100 = vector.shape_cast %select_n3A_91 : vector<16xf32> to vector<1x1x16xf32>
            tpu.vector_store %arg5[%swap3A_95, %swap3A_96, %swap3A_97], %swap3A_100 {strides = array<i32>} : memref<10x30x256xf32, #tpu.memory_space<vmem>>, vector<1x1x16xf32>,
            %eq3A_101 = arith.constant 3 : i32
            %eq3A_102 = vector.broadcast %eq3A_101 : i32 to vector<16xi32>
            %eq3A_103 = arith.cmpi eq, %get3A_54, %eq3A_102 : vector<16xi32>
            %jit3A_104 = arith.constant 1.000000e+09 : f32
            %jit3A_105 = arith.constant -1.000000e+09 : f32
            %broadcast_in_dim3A_106 = vector.broadcast %jit3A_104 : f32 to vector<16xf32>
            %broadcast_in_dim3A_107 = vector.broadcast %jit3A_105 : f32 to vector<16xf32>
            %select_n3A_108 = arith.select %eq3A_103, %broadcast_in_dim3A_106, %broadcast_in_dim3A_107 : vector<16xi1>, vector<16xf32>
            %mul3A_109 = arith.constant 16 : i32
            %mul3A_110 = arith.muli %scan3A_49, %mul3A_109 : i32
            %swap3A_111 = arith.constant 3 : i32
            %swap3A_112 = arith.index_cast %swap3A_111 : i32 to index
            %swap3A_113 = arith.index_cast %scan3A_43 : i32 to index
            %swap3A_114 = arith.index_cast %mul3A_110 : i32 to index
            %swap3A_115 = tpu.vector_load %arg5[%swap3A_112, %swap3A_113, %swap3A_114] {strides = array<i32>} : memref<10x30x256xf32, #tpu.memory_space<vmem>>, vector<1x1x16xf32>,
            %swap3A_116 = vector.shape_cast %swap3A_115 : vector<1x1x16xf32> to vector<16xf32>
            %swap3A_117 = vector.shape_cast %select_n3A_108 : vector<16xf32> to vector<1x1x16xf32>
            tpu.vector_store %arg5[%swap3A_112, %swap3A_113, %swap3A_114], %swap3A_117 {strides = array<i32>} : memref<10x30x256xf32, #tpu.memory_space<vmem>>, vector<1x1x16xf32>,
            %eq3A_118 = arith.constant 4 : i32
            %eq3A_119 = vector.broadcast %eq3A_118 : i32 to vector<16xi32>
            %eq3A_120 = arith.cmpi eq, %get3A_54, %eq3A_119 : vector<16xi32>
            %jit3A_121 = arith.constant 1.000000e+09 : f32
            %jit3A_122 = arith.constant -1.000000e+09 : f32
            %broadcast_in_dim3A_123 = vector.broadcast %jit3A_121 : f32 to vector<16xf32>
            %broadcast_in_dim3A_124 = vector.broadcast %jit3A_122 : f32 to vector<16xf32>
            %select_n3A_125 = arith.select %eq3A_120, %broadcast_in_dim3A_123, %broadcast_in_dim3A_124 : vector<16xi1>, vector<16xf32>
            %mul3A_126 = arith.constant 16 : i32
            %mul3A_127 = arith.muli %scan3A_49, %mul3A_126 : i32
            %swap3A_128 = arith.constant 4 : i32
            %swap3A_129 = arith.index_cast %swap3A_128 : i32 to index
            %swap3A_130 = arith.index_cast %scan3A_43 : i32 to index
            %swap3A_131 = arith.index_cast %mul3A_127 : i32 to index
            %swap3A_132 = tpu.vector_load %arg5[%swap3A_129, %swap3A_130, %swap3A_131] {strides = array<i32>} : memref<10x30x256xf32, #tpu.memory_space<vmem>>, vector<1x1x16xf32>,
            %swap3A_133 = vector.shape_cast %swap3A_132 : vector<1x1x16xf32> to vector<16xf32>
            %swap3A_134 = vector.shape_cast %select_n3A_125 : vector<16xf32> to vector<1x1x16xf32>
            tpu.vector_store %arg5[%swap3A_129, %swap3A_130, %swap3A_131], %swap3A_134 {strides = array<i32>} : memref<10x30x256xf32, #tpu.memory_space<vmem>>, vector<1x1x16xf32>,
            %eq3A_135 = arith.constant 5 : i32
            %eq3A_136 = vector.broadcast %eq3A_135 : i32 to vector<16xi32>
            %eq3A_137 = arith.cmpi eq, %get3A_54, %eq3A_136 : vector<16xi32>
            %jit3A_138 = arith.constant 1.000000e+09 : f32
            %jit3A_139 = arith.constant -1.000000e+09 : f32
            %broadcast_in_dim3A_140 = vector.broadcast %jit3A_138 : f32 to vector<16xf32>
            %broadcast_in_dim3A_141 = vector.broadcast %jit3A_139 : f32 to vector<16xf32>
            %select_n3A_142 = arith.select %eq3A_137, %broadcast_in_dim3A_140, %broadcast_in_dim3A_141 : vector<16xi1>, vector<16xf32>
            %mul3A_143 = arith.constant 16 : i32
            %mul3A_144 = arith.muli %scan3A_49, %mul3A_143 : i32
            %swap3A_145 = arith.constant 5 : i32
            %swap3A_146 = arith.index_cast %swap3A_145 : i32 to index
            %swap3A_147 = arith.index_cast %scan3A_43 : i32 to index
            %swap3A_148 = arith.index_cast %mul3A_144 : i32 to index
            %swap3A_149 = tpu.vector_load %arg5[%swap3A_146, %swap3A_147, %swap3A_148] {strides = array<i32>} : memref<10x30x256xf32, #tpu.memory_space<vmem>>, vector<1x1x16xf32>,
            %swap3A_150 = vector.shape_cast %swap3A_149 : vector<1x1x16xf32> to vector<16xf32>
            %swap3A_151 = vector.shape_cast %select_n3A_142 : vector<16xf32> to vector<1x1x16xf32>
            tpu.vector_store %arg5[%swap3A_146, %swap3A_147, %swap3A_148], %swap3A_151 {strides = array<i32>} : memref<10x30x256xf32, #tpu.memory_space<vmem>>, vector<1x1x16xf32>,
            %eq3A_152 = arith.constant 6 : i32
            %eq3A_153 = vector.broadcast %eq3A_152 : i32 to vector<16xi32>
            %eq3A_154 = arith.cmpi eq, %get3A_54, %eq3A_153 : vector<16xi32>
            %jit3A_155 = arith.constant 1.000000e+09 : f32
            %jit3A_156 = arith.constant -1.000000e+09 : f32
            %broadcast_in_dim3A_157 = vector.broadcast %jit3A_155 : f32 to vector<16xf32>
            %broadcast_in_dim3A_158 = vector.broadcast %jit3A_156 : f32 to vector<16xf32>
            %select_n3A_159 = arith.select %eq3A_154, %broadcast_in_dim3A_157, %broadcast_in_dim3A_158 : vector<16xi1>, vector<16xf32>
            %mul3A_160 = arith.constant 16 : i32
            %mul3A_161 = arith.muli %scan3A_49, %mul3A_160 : i32
            %swap3A_162 = arith.constant 6 : i32
            %swap3A_163 = arith.index_cast %swap3A_162 : i32 to index
            %swap3A_164 = arith.index_cast %scan3A_43 : i32 to index
            %swap3A_165 = arith.index_cast %mul3A_161 : i32 to index
            %swap3A_166 = tpu.vector_load %arg5[%swap3A_163, %swap3A_164, %swap3A_165] {strides = array<i32>} : memref<10x30x256xf32, #tpu.memory_space<vmem>>, vector<1x1x16xf32>,
            %swap3A_167 = vector.shape_cast %swap3A_166 : vector<1x1x16xf32> to vector<16xf32>
            %swap3A_168 = vector.shape_cast %select_n3A_159 : vector<16xf32> to vector<1x1x16xf32>
            tpu.vector_store %arg5[%swap3A_163, %swap3A_164, %swap3A_165], %swap3A_168 {strides = array<i32>} : memref<10x30x256xf32, #tpu.memory_space<vmem>>, vector<1x1x16xf32>,
            %eq3A_169 = arith.constant 7 : i32
            %eq3A_170 = vector.broadcast %eq3A_169 : i32 to vector<16xi32>
            %eq3A_171 = arith.cmpi eq, %get3A_54, %eq3A_170 : vector<16xi32>
            %jit3A_172 = arith.constant 1.000000e+09 : f32
            %jit3A_173 = arith.constant -1.000000e+09 : f32
            %broadcast_in_dim3A_174 = vector.broadcast %jit3A_172 : f32 to vector<16xf32>
            %broadcast_in_dim3A_175 = vector.broadcast %jit3A_173 : f32 to vector<16xf32>
            %select_n3A_176 = arith.select %eq3A_171, %broadcast_in_dim3A_174, %broadcast_in_dim3A_175 : vector<16xi1>, vector<16xf32>
            %mul3A_177 = arith.constant 16 : i32
            %mul3A_178 = arith.muli %scan3A_49, %mul3A_177 : i32
            %swap3A_179 = arith.constant 7 : i32
            %swap3A_180 = arith.index_cast %swap3A_179 : i32 to index
            %swap3A_181 = arith.index_cast %scan3A_43 : i32 to index
            %swap3A_182 = arith.index_cast %mul3A_178 : i32 to index
            %swap3A_183 = tpu.vector_load %arg5[%swap3A_180, %swap3A_181, %swap3A_182] {strides = array<i32>} : memref<10x30x256xf32, #tpu.memory_space<vmem>>, vector<1x1x16xf32>,
            %swap3A_184 = vector.shape_cast %swap3A_183 : vector<1x1x16xf32> to vector<16xf32>
            %swap3A_185 = vector.shape_cast %select_n3A_176 : vector<16xf32> to vector<1x1x16xf32>
            tpu.vector_store %arg5[%swap3A_180, %swap3A_181, %swap3A_182], %swap3A_185 {strides = array<i32>} : memref<10x30x256xf32, #tpu.memory_space<vmem>>, vector<1x1x16xf32>,
            %eq3A_186 = arith.constant 8 : i32
            %eq3A_187 = vector.broadcast %eq3A_186 : i32 to vector<16xi32>
            %eq3A_188 = arith.cmpi eq, %get3A_54, %eq3A_187 : vector<16xi32>
            %jit3A_189 = arith.constant 1.000000e+09 : f32
            %jit3A_190 = arith.constant -1.000000e+09 : f32
            %broadcast_in_dim3A_191 = vector.broadcast %jit3A_189 : f32 to vector<16xf32>
            %broadcast_in_dim3A_192 = vector.broadcast %jit3A_190 : f32 to vector<16xf32>
            %select_n3A_193 = arith.select %eq3A_188, %broadcast_in_dim3A_191, %broadcast_in_dim3A_192 : vector<16xi1>, vector<16xf32>
            %mul3A_194 = arith.constant 16 : i32
            %mul3A_195 = arith.muli %scan3A_49, %mul3A_194 : i32
            %swap3A_196 = arith.constant 8 : i32
            %swap3A_197 = arith.index_cast %swap3A_196 : i32 to index
            %swap3A_198 = arith.index_cast %scan3A_43 : i32 to index
            %swap3A_199 = arith.index_cast %mul3A_195 : i32 to index
            %swap3A_200 = tpu.vector_load %arg5[%swap3A_197, %swap3A_198, %swap3A_199] {strides = array<i32>} : memref<10x30x256xf32, #tpu.memory_space<vmem>>, vector<1x1x16xf32>,
            %swap3A_201 = vector.shape_cast %swap3A_200 : vector<1x1x16xf32> to vector<16xf32>
            %swap3A_202 = vector.shape_cast %select_n3A_193 : vector<16xf32> to vector<1x1x16xf32>
            tpu.vector_store %arg5[%swap3A_197, %swap3A_198, %swap3A_199], %swap3A_202 {strides = array<i32>} : memref<10x30x256xf32, #tpu.memory_space<vmem>>, vector<1x1x16xf32>,
            %eq3A_203 = arith.constant 9 : i32
            %eq3A_204 = vector.broadcast %eq3A_203 : i32 to vector<16xi32>
            %eq3A_205 = arith.cmpi eq, %get3A_54, %eq3A_204 : vector<16xi32>
            %jit3A_206 = arith.constant 1.000000e+09 : f32
            %jit3A_207 = arith.constant -1.000000e+09 : f32
            %broadcast_in_dim3A_208 = vector.broadcast %jit3A_206 : f32 to vector<16xf32>
            %broadcast_in_dim3A_209 = vector.broadcast %jit3A_207 : f32 to vector<16xf32>
            %select_n3A_210 = arith.select %eq3A_205, %broadcast_in_dim3A_208, %broadcast_in_dim3A_209 : vector<16xi1>, vector<16xf32>
            %mul3A_211 = arith.constant 16 : i32
            %mul3A_212 = arith.muli %scan3A_49, %mul3A_211 : i32
            %swap3A_213 = arith.constant 9 : i32
            %swap3A_214 = arith.index_cast %swap3A_213 : i32 to index
            %swap3A_215 = arith.index_cast %scan3A_43 : i32 to index
            %swap3A_216 = arith.index_cast %mul3A_212 : i32 to index
            %swap3A_217 = tpu.vector_load %arg5[%swap3A_214, %swap3A_215, %swap3A_216] {strides = array<i32>} : memref<10x30x256xf32, #tpu.memory_space<vmem>>, vector<1x1x16xf32>,
            %swap3A_218 = vector.shape_cast %swap3A_217 : vector<1x1x16xf32> to vector<16xf32>
            %swap3A_219 = vector.shape_cast %select_n3A_210 : vector<16xf32> to vector<1x1x16xf32>
            tpu.vector_store %arg5[%swap3A_214, %swap3A_215, %swap3A_216], %swap3A_219 {strides = array<i32>} : memref<10x30x256xf32, #tpu.memory_space<vmem>>, vector<1x1x16xf32>,
          }
          %scan3A_48 = arith.constant 16 : i32
        }
        %scan3A_26 = arith.constant 30 : i32
        %dma_start3A_27 = arith.constant 0 : i32
        %dma_start3A_28 = arith.constant 0 : i32
        %dma_start3A_29 = tpu.memref_slice %arg3[%add3A, %dma_start3A_27, %dma_start3A_28, %mul3A_10] : memref<30x10x30x4096xf32, #tpu.memory_space<hbm>> -> memref<1x10x30x256xf32, #tpu.memory_space<hbm>>
        %dma_start3A_30 = tpu.memref_squeeze %dma_start3A_29 : memref<1x10x30x256xf32, #tpu.memory_space<hbm>> -> memref<10x30x256xf32, #tpu.memory_space<hbm>>
        %dma_start3A_31 = arith.constant 0 : i32
        %dma_start3A_32 = arith.constant 0 : i32
        %dma_start3A_33 = tpu.memref_slice %arg3[%add3A, %dma_start3A_31, %dma_start3A_32, %mul3A_10] : memref<30x10x30x4096xf32, #tpu.memory_space<hbm>> -> memref<1x10x30x256xf32, #tpu.memory_space<hbm>>
        %dma_start3A_34 = tpu.memref_squeeze %dma_start3A_33 : memref<1x10x30x256xf32, #tpu.memory_space<hbm>> -> memref<10x30x256xf32, #tpu.memory_space<hbm>>
        tpu.enqueue_dma source(%arg5 : memref<10x30x256xf32, #tpu.memory_space<vmem>>) target(%dma_start3A_34 : memref<10x30x256xf32, #tpu.memory_space<hbm>>) target_semaphore(%arg7 : memref<!tpu.dma_semaphore, #tpu.memory_space<semaphore_mem>>)
        %dma_wait3A_35 = arith.constant 0 : i32
        %dma_wait3A_36 = arith.constant 0 : i32
        %dma_wait3A_37 = tpu.memref_slice %arg3[%add3A, %dma_wait3A_35, %dma_wait3A_36, %mul3A_10] : memref<30x10x30x4096xf32, #tpu.memory_space<hbm>> -> memref<1x10x30x256xf32, #tpu.memory_space<hbm>>
        %dma_wait3A_38 = tpu.memref_squeeze %dma_wait3A_37 : memref<1x10x30x256xf32, #tpu.memory_space<hbm>> -> memref<10x30x256xf32, #tpu.memory_space<hbm>>
        %dma_wait3A_39 = arith.constant 0 : i32
        %dma_wait3A_40 = arith.constant 0 : i32
        %dma_wait3A_41 = tpu.memref_slice %arg3[%add3A, %dma_wait3A_39, %dma_wait3A_40, %mul3A_10] : memref<30x10x30x4096xf32, #tpu.memory_space<hbm>> -> memref<1x10x30x256xf32, #tpu.memory_space<hbm>>
        %dma_wait3A_42 = tpu.memref_squeeze %dma_wait3A_41 : memref<1x10x30x256xf32, #tpu.memory_space<hbm>> -> memref<10x30x256xf32, #tpu.memory_space<hbm>>
        tpu.wait_dma2 semaphore(%arg7 : memref<!tpu.dma_semaphore, #tpu.memory_space<semaphore_mem>>) src(%arg5 : memref<10x30x256xf32, #tpu.memory_space<vmem>>) dst(%dma_wait3A_42 : memref<10x30x256xf32, #tpu.memory_space<hbm>>)
      }
      %scan3A_7 = arith.constant 16 : i32
    } else {
    }
    return
  }
}

module attributes {stable_mosaic.version = 14 : i64} {
  func.func @_hw_body(%arg0: i32, %arg1: memref<30x30x512xi32, #tpu.memory_space<vmem>>, %arg2: memref<30x512xf32, #tpu.memory_space<vmem>>, %arg3: memref<30x512xf32, #tpu.memory_space<vmem>>) attributes {dimension_semantics = [#tpu.dimension_semantics<arbitrary>], iteration_bounds = array<i64: 8>, scalar_prefetch = 0 : i64, scratch_operands = 0 : i64, tpu.core_type = #tpu.core_type<tc>, window_params = [{transform_indices = @transform_0, window_bounds = array<i64: 30, 30, 512>}, {transform_indices = @transform_1, window_bounds = array<i64: 30, 512>}, {transform_indices = @transform_2, window_bounds = array<i64: 30, 512>}]} {
    %get3A = arith.constant 0 : index
    %get3A_0 = arith.constant 0 : index
    %get3A_1 = arith.constant 0 : index
    %get3A_2 = vector.load %arg1[%get3A, %get3A_0, %get3A_1] : memref<30x30x512xi32, #tpu.memory_space<vmem>>, vector<30x30x512xi32>
    %get3A_3 = arith.constant dense<0> : vector<30x30x512xi32>
    %get3A_4 = arith.cmpi ne, %get3A_2, %get3A_3 : vector<30x30x512xi32>
    %reduce_or3A = arith.constant 1.000000e+00 : f32
    %reduce_or3A_5 = arith.constant 0.000000e+00 : f32
    %reduce_or3A_6 = vector.broadcast %reduce_or3A : f32 to vector<30x30x512xf32>
    %reduce_or3A_7 = vector.broadcast %reduce_or3A_5 : f32 to vector<30x30x512xf32>
    %reduce_or3A_8 = arith.select %get3A_4, %reduce_or3A_6, %reduce_or3A_7 : vector<30x30x512xi1>, vector<30x30x512xf32>
    %reduce_or3A_9 = arith.constant dense<0xFF800000> : vector<30x512xf32>
    %reduce_or3A_10 = vector.multi_reduction <maximumf>, %reduce_or3A_8, %reduce_or3A_9 [1] : vector<30x30x512xf32> to vector<30x512xf32>
    %reduce_or3A_11 = arith.constant 0.000000e+00 : f32
    %reduce_or3A_12 = vector.broadcast %reduce_or3A_11 : f32 to vector<30x512xf32>
    %reduce_or3A_13 = arith.cmpf ogt, %reduce_or3A_10, %reduce_or3A_12 : vector<30x512xf32>
    %reduce_or3A_14 = arith.constant 1.000000e+00 : f32
    %reduce_or3A_15 = arith.constant 0.000000e+00 : f32
    %reduce_or3A_16 = vector.broadcast %reduce_or3A_14 : f32 to vector<30x30x512xf32>
    %reduce_or3A_17 = vector.broadcast %reduce_or3A_15 : f32 to vector<30x30x512xf32>
    %reduce_or3A_18 = arith.select %get3A_4, %reduce_or3A_16, %reduce_or3A_17 : vector<30x30x512xi1>, vector<30x30x512xf32>
    %reduce_or3A_19 = arith.constant dense<0xFF800000> : vector<30x512xf32>
    %reduce_or3A_20 = vector.multi_reduction <maximumf>, %reduce_or3A_18, %reduce_or3A_19 [0] : vector<30x30x512xf32> to vector<30x512xf32>
    %reduce_or3A_21 = arith.constant 0.000000e+00 : f32
    %reduce_or3A_22 = vector.broadcast %reduce_or3A_21 : f32 to vector<30x512xf32>
    %reduce_or3A_23 = arith.cmpf ogt, %reduce_or3A_20, %reduce_or3A_22 : vector<30x512xf32>
    %convert_element_type3A = arith.extui %reduce_or3A_13 : vector<30x512xi1> to vector<30x512xi32>
    %reduce_sum3A = arith.constant dense<0> : vector<512xi32>
    %reduce_sum3A_24 = vector.multi_reduction <add>, %convert_element_type3A, %reduce_sum3A [0] : vector<30x512xi32> to vector<512xi32>
    %sub3A = arith.constant 1 : i32
    %sub3A_25 = vector.broadcast %sub3A : i32 to vector<512xi32>
    %sub3A_26 = arith.subi %reduce_sum3A_24, %sub3A_25 : vector<512xi32>
    %convert_element_type3A_27 = arith.extui %reduce_or3A_23 : vector<30x512xi1> to vector<30x512xi32>
    %reduce_sum3A_28 = arith.constant dense<0> : vector<512xi32>
    %reduce_sum3A_29 = vector.multi_reduction <add>, %convert_element_type3A_27, %reduce_sum3A_28 [0] : vector<30x512xi32> to vector<512xi32>
    %sub3A_30 = arith.constant 1 : i32
    %sub3A_31 = vector.broadcast %sub3A_30 : i32 to vector<512xi32>
    %sub3A_32 = arith.subi %reduce_sum3A_29, %sub3A_31 : vector<512xi32>
    %lt3A = arith.constant 0 : i32
    %lt3A_33 = vector.broadcast %lt3A : i32 to vector<512xi32>
    %lt3A_34 = arith.cmpi slt, %sub3A_26, %lt3A_33 : vector<512xi32>
    %add3A = arith.constant 30 : i32
    %add3A_35 = vector.broadcast %add3A : i32 to vector<512xi32>
    %add3A_36 = arith.addi %sub3A_26, %add3A_35 : vector<512xi32>
    %select_n3A = arith.select %lt3A_34, %add3A_36, %sub3A_26 : vector<512xi1>, vector<512xi32>
    %lt3A_37 = arith.constant 0 : i32
    %lt3A_38 = vector.broadcast %lt3A_37 : i32 to vector<512xi32>
    %lt3A_39 = arith.cmpi slt, %sub3A_32, %lt3A_38 : vector<512xi32>
    %add3A_40 = arith.constant 30 : i32
    %add3A_41 = vector.broadcast %add3A_40 : i32 to vector<512xi32>
    %add3A_42 = arith.addi %sub3A_32, %add3A_41 : vector<512xi32>
    %select_n3A_43 = arith.select %lt3A_39, %add3A_42, %sub3A_32 : vector<512xi1>, vector<512xi32>
    %iota3A = tpu.iota {dimensions = array<i32: 0>} : vector<30x512xi32>
    %broadcast_in_dim3A = vector.shape_cast %select_n3A : vector<512xi32> to vector<1x512xi32>
    %eq3A = vector.broadcast %broadcast_in_dim3A : vector<1x512xi32> to vector<30x512xi32>
    %eq3A_44 = arith.cmpi eq, %iota3A, %eq3A : vector<30x512xi32>
    %jit3A = arith.constant 1.000000e+09 : f32
    %jit3A_45 = arith.constant -1.000000e+09 : f32
    %broadcast_in_dim3A_46 = vector.broadcast %jit3A : f32 to vector<30x512xf32>
    %broadcast_in_dim3A_47 = vector.broadcast %jit3A_45 : f32 to vector<30x512xf32>
    %select_n3A_48 = arith.select %eq3A_44, %broadcast_in_dim3A_46, %broadcast_in_dim3A_47 : vector<30x512xi1>, vector<30x512xf32>
    %swap3A = arith.constant 0 : index
    %swap3A_49 = arith.constant 0 : index
    %swap3A_50 = vector.load %arg2[%swap3A, %swap3A_49] : memref<30x512xf32, #tpu.memory_space<vmem>>, vector<30x512xf32>
    tpu.vector_store %arg2[%swap3A, %swap3A_49], %select_n3A_48 {strides = array<i32>} : memref<30x512xf32, #tpu.memory_space<vmem>>, vector<30x512xf32>,
    %broadcast_in_dim3A_51 = vector.shape_cast %select_n3A_43 : vector<512xi32> to vector<1x512xi32>
    %eq3A_52 = vector.broadcast %broadcast_in_dim3A_51 : vector<1x512xi32> to vector<30x512xi32>
    %eq3A_53 = arith.cmpi eq, %iota3A, %eq3A_52 : vector<30x512xi32>
    %jit3A_54 = arith.constant 1.000000e+09 : f32
    %jit3A_55 = arith.constant -1.000000e+09 : f32
    %broadcast_in_dim3A_56 = vector.broadcast %jit3A_54 : f32 to vector<30x512xf32>
    %broadcast_in_dim3A_57 = vector.broadcast %jit3A_55 : f32 to vector<30x512xf32>
    %select_n3A_58 = arith.select %eq3A_53, %broadcast_in_dim3A_56, %broadcast_in_dim3A_57 : vector<30x512xi1>, vector<30x512xf32>
    %swap3A_59 = arith.constant 0 : index
    %swap3A_60 = arith.constant 0 : index
    %swap3A_61 = vector.load %arg3[%swap3A_59, %swap3A_60] : memref<30x512xf32, #tpu.memory_space<vmem>>, vector<30x512xf32>
    tpu.vector_store %arg3[%swap3A_59, %swap3A_60], %select_n3A_58 {strides = array<i32>} : memref<30x512xf32, #tpu.memory_space<vmem>>, vector<30x512xf32>,
    return
  }
  func.func @transform_0(%arg0: i32) -> (i32, i32, i32) {
    %c0_i32 = arith.constant 0 : i32
    %c0_i32_0 = arith.constant 0 : i32
    %c0_i32_1 = arith.constant 0 : i32
    return %c0_i32, %c0_i32_0, %arg0 : i32, i32, i32
  }
  func.func @transform_1(%arg0: i32) -> (i32, i32) {
    %c0_i32 = arith.constant 0 : i32
    %c0_i32_0 = arith.constant 0 : i32
    return %c0_i32, %arg0 : i32, i32
  }
  func.func @transform_2(%arg0: i32) -> (i32, i32) {
    %c0_i32 = arith.constant 0 : i32
    %c0_i32_0 = arith.constant 0 : i32
    return %c0_i32, %arg0 : i32, i32
  }
}

</mosaic_0001>

<sc_bundles>
// kernel: kernel.4.cloned.1.call-start
scs
__scs_entry_jumppad:
0x0: {  	(pc) =	sbr.rel $0x88, $3  }
0x1: {  	(tag) =	ssettag $0x0;
	lr =	simm.s32 $0x1  }
0x2: {  	[smem:$0x3F9F] =	sst lr;
	_ =	strace $0xD0000000  }
0x3: {  	_ = 	snop  }
0x4: {  	_ = 	snop  }
0x5: {  	_ = 	snop  }
0x6: {  	_ = 	snop  }
0x7: {  	_ = 	snop  }
__scs_overlays_trampoline_lowered:
0x8: {  	[smem:$0x3FAE] =	sst s0  }
0x9: {  	[smem:$0x3FAF] =	sst s1  }
0xa: {  	[smem:$0x3FB0] =	sst s2  }
0xb: {  	[smem:$0x3FB1] =	sst s3  }
0xc: {  	[smem:$0x3FB2] =	sst s4  }
0xd: {  	[smem:$0x3FB3] =	sst s5  }
0xe: {  	[smem:$0x3FB4] =	sst s6  }
0xf: {  	[smem:$0x3FB5] =	sst s7  }
0x10: {  	[smem:$0x3FB6] =	sst s8  }
0x11: {  	[smem:$0x3FB7] =	sst s9;
	s0 =	simm.s32 @!p0 $0x0  }
0x12: {  	s1 =	sld [smem:$0x3F9D];
	s0 =	simm.s32 @p0 $0x1  }
0x13: {  	[smem:$0x3FB8] =	sst s0;
	s0 =	simm.s32 @!p1 $0x0  }
0x14: {  	s2 =	sld [smem:$0x3F9C];
	s0 =	simm.s32 @p1 $0x1  }
0x15: {  	[smem:$0x3FB9] =	sst s0;
	s0 =	simm.s32 @!p2 $0x0  }
0x16: {  	s3 =	sld [smem:$0x3FDB];
	s0 =	simm.s32 @p2 $0x1  }
0x17: {  	s4 =	simm.s32 $0x1BF5;
	[smem:$0x3FBB] =	sst s0  }
0x18: {  	s0 =	sld [smem:$0x3F9E];
	_ =	swait.ge [sflag:s4], $0x0  }
0x19: {  	s7 =	sld [smem:$0x3F9F]  }
0x1a: {  	s8 =	sadd.s32 $0xFFFFE003, lr  }
0x1b: {  	s9 =	sadd.s32 $0xFFFFFEF7, lr;
	s5 =	simm.s32 $0xFFFFFFFF;
	p2 =	slt.u32 s8, $0xFFFFF086  }
0x1c: {  	p1 =	slt.u32 s9, $0xF7A;
	s5 =	simm.s32 @!p2 $0x0  }
0x1d: {  	s5 =	simm.s32 @p1 $0x1;
	p0 =	seq.s32 s7, s2  }
0x1e: {  	s7 =	smul.u32 @!p0 $0xF7A, s2;
	p2 =	seq.s32 @!p0 s5, $0x0  }
0x1f: {  	s9 =	smul.u32 $0xF7A, s1;
	s8 =	simm.s32 @!p0 $0x1BF5;
	p2 =	por !p2, p0  }
0x20: {  	[sflag:s8] =	ssyncset.s32 @!p0 $0xFFFFF086;
	s6 =	sadd.s32 @!p0 s3, s7;
	s7 =	simm.s32 @!p0 $0x108  }
0x21: {  	s3 =	sadd.s32 s3, s9;
	s6 =	sadd.s32 @!p0 $0x88, s6;
	s7 =	simm.s32 @p2 $0x1082  }
0x22: {  	[simem:s7], [sflag:s8] =	dma.local @!p0 [hbm:s6], $0xF7A  }
0x23: {  	s9 =	sor.u32 $0xD0000000, s2;
	s6 =	simm.s32 $0x108;
	_ =	swait.ge @!p0 [sflag:s8], $0x0  }
0x24: {  	s3 =	sadd.s32 $0x88, s3;
	s6 =	simm.s32 @!p1 $0x1082;
	[sflag:s4] =	ssyncset.s32 $0xFFFFF086  }
0x25: {  	[simem:s6], [sflag:s4] =	dma.local [hbm:s3], $0xF7A  }
0x26: {  	[smem:$0x3F9F] =	sst s1;
	(tag) =	ssettag s2;
	_ =	strace s9  }
0x27: {  	s1 =	sld [smem:$0x3FAF]  }
0x28: {  	s2 =	sld [smem:$0x3FB0]  }
0x29: {  	s4 =	sld [smem:$0x3FB2]  }
0x2a: {  	p0 =	seq.s32 s5, $0x0;
	s5 =	sld [smem:$0x3FB3]  }
0x2b: {  	s6 =	sld [smem:$0x3FB4]  }
0x2c: {  	s7 =	sld [smem:$0x3FB5]  }
0x2d: {  	s3 =	simm.s32 $0x108;
	s8 =	sld [smem:$0x3FB6]  }
0x2e: {  	s3 =	simm.s32 @!p0 $0x1082;
	s9 =	sld [smem:$0x3FB7]  }
0x2f: {  	lr =	sadd.s32 s0, s3;
	s0 =	sld [smem:$0x3FAE]  }
0x30: {  	s3 =	sld [smem:$0x3FB1]  }
0x31: {  	[smem:$0x3FBA] =	sst s10  }
0x32: {  	s10 =	sld [smem:$0x3FB8];
	_ =	sdelay $0x3  }
0x33: {  	p0 =	seq.s32 s10, $0x1;
	s10 =	sld [smem:$0x3FBA];
	_ =	sdelay $0x3  }
0x34: {  	[smem:$0x3FBA] =	sst s10  }
0x35: {  	s10 =	sld [smem:$0x3FB9];
	_ =	sdelay $0x3  }
0x36: {  	p1 =	seq.s32 s10, $0x1;
	s10 =	sld [smem:$0x3FBA];
	_ =	sdelay $0x3  }
0x37: {  	[smem:$0x3FBA] =	sst s10  }
0x38: {  	s10 =	sld [smem:$0x3FBB]  }
0x39: {  	_ = 	snop;
	(pc) =	sbr.ind lr, $3  }
0x3a: {  	_ = 	snop  }
0x3b: {  	_ = 	snop  }
0x3c: {  	p2 =	seq.s32 s10, $0x1;
	s10 =	sld [smem:$0x3FBA]  }
0x3d: {  	_ =	shalt  }
0x3e: {  	_ =	shalt  }
0x3f: {  	_ =	shalt  }
0x40: {  	_ =	shalt  }
0x41: {  	_ =	shalt  }
0x42: {  	_ =	shalt  }
0x43: {  	_ =	shalt  }
0x44: {  	_ =	shalt  }
0x45: {  	_ =	shalt  }
0x46: {  	_ =	shalt  }
0x47: {  	_ =	shalt  }
0x48: {  	_ =	shalt  }
0x49: {  	_ =	shalt  }
0x4a: {  	_ =	shalt  }
0x4b: {  	_ =	shalt  }
0x4c: {  	_ =	shalt  }
0x4d: {  	_ =	shalt  }
0x4e: {  	_ =	shalt  }
0x4f: {  	_ =	shalt  }
0x50: {  	_ =	shalt  }
0x51: {  	_ =	shalt  }
0x52: {  	_ =	shalt  }
0x53: {  	_ =	shalt  }
0x54: {  	_ =	shalt  }
0x55: {  	_ =	shalt  }
0x56: {  	_ =	shalt  }
0x57: {  	_ =	shalt  }
0x58: {  	_ =	shalt  }
0x59: {  	_ =	shalt  }
0x5a: {  	_ =	shalt  }
0x5b: {  	_ =	shalt  }
0x5c: {  	_ =	shalt  }
0x5d: {  	_ =	shalt  }
0x5e: {  	_ =	shalt  }
0x5f: {  	_ =	shalt  }
0x60: {  	_ =	shalt  }
0x61: {  	_ =	shalt  }
0x62: {  	_ =	shalt  }
0x63: {  	_ =	shalt  }
0x64: {  	_ =	shalt  }
0x65: {  	_ =	shalt  }
0x66: {  	_ =	shalt  }
0x67: {  	_ =	shalt  }
0x68: {  	_ =	shalt  }
0x69: {  	_ =	shalt  }
0x6a: {  	_ =	shalt  }
0x6b: {  	_ =	shalt  }
0x6c: {  	_ =	shalt  }
0x6d: {  	_ =	shalt  }
0x6e: {  	_ =	shalt  }
0x6f: {  	_ =	shalt  }
0x70: {  	_ =	shalt  }
0x71: {  	_ =	shalt  }
0x72: {  	_ =	shalt  }
0x73: {  	_ =	shalt  }
0x74: {  	_ =	shalt  }
0x75: {  	_ =	shalt  }
0x76: {  	_ =	shalt  }
0x77: {  	_ =	shalt  }
0x78: {  	_ =	shalt  }
0x79: {  	_ =	shalt  }
0x7a: {  	_ =	shalt  }
0x7b: {  	_ =	shalt  }
0x7c: {  	_ =	shalt  }
0x7d: {  	_ =	shalt  }
0x7e: {  	_ =	shalt  }
0x7f: {  	_ =	shalt  }
0x80: {  	_ =	shalt  }
0x81: {  	_ =	shalt  }
0x82: {  	_ =	shalt  }
0x83: {  	_ =	shalt  }
0x84: {  	_ =	shalt  }
0x85: {  	_ =	shalt  }
0x86: {  	_ =	shalt  }
0x87: {  	_ =	shalt  }
.Lfunc_end0:
.L_simem_size_0:
called_computation_lowered:
.L_overlay_start_0:
0x88: {  	s2 =	sld [smem:$0x3FD9]  }
0x89: {  	s3 =	sld [smem:$0x3FFE];
	_ =	sdelay $0x1  }
0x8a: {  	s1 =	srdreg.scid  }
0x8b: {  	s0 =	sand.u32 $0x1, s1  }
0x8c: {  	s15 =	sshll.u32 s0, $0xA;
	s2 =	sadd.s32 s3, s2  }
0x8d: {  	s2 =	sadd.s32 s2, s15  }
0x8e: {  	[smem:$0x3FC6] =	sst s2  }
0x8f: {  	_ = 	snop  }
0x90: {  	s2 =	sld [smem:$0x3FD0];
	_ =	sdelay $0x2  }
0x91: {  	s4 =	simm.s32 $0xA;
	s5 =	simm.s32 $0x10;
	s16 =	sld [smem:$0x3FC9]  }
0x92: {  	[smem:s5], [sflag:s4] =	dma.local [hbm:s2], $0x1  }
0x93: {  	_ =	swait.eq [sflag:s4], $0x1  }
0x94: {  	[sflag:s4] =	ssyncset.done $0x0  }
0x95: {  	[sflag:s4] =	ssyncadd.s32 $0xFFFFFFFF  }
0x96: {  	s17 =	sld [smem:$0x12];
	(tm) =	ssettm $0x1  }
0x97: {  	s18 =	sld [smem:$0x3FFB];
	_ =	sdelay $0x3  }
0x98: {  	_ =	strace s18  }
0x99: {  	s4 =	sld [smem:$0x3FFC];
	_ =	sdelay $0x3  }
0x9a: {  	_ =	strace s4  }
0x9b: {  	s4 =	sld [smem:$0x3FFD];
	_ =	sdelay $0x3  }
0x9c: {  	_ =	strace s4  }
0x9d: {  	_ =	strace $0x8FFFFFFF  }
0x9e: {  	s19 =	sld [smem:$0x3FDB];
	_ =	sdelay $0x1  }
0x9f: {  	s20 =	simm.s32 $_scs_section_size  }
0xa0: {  	s6 =	simm.s32 $_size__tile_overlayer_lowered;
	s7 =	simm.s32 $_tile_overlayer_lowered  }
0xa1: {  	s23 =	simm.s32 $0x1BFF;
	s22 =	sshll.u32 s7, $0x1;
	s4 =	sadd.s32 s20, s19  }
0xa2: {  	s8 =	simm.s32 $0x0;
	s21 =	sshll.u32 s6, $0x1;
	s6 =	sadd.s32 s22, s4  }
0xa3: {  	[timem:s8], [sflag:s23] =	dma.local [hbm:s6], s21  }
0xa4: {  	_ =	swait.ge [sflag:s23], s21  }
0xa5: {  	s5 =	ssub.s32 $0x0, s21;
	[sflag:s23] =	ssyncset.done $0x0  }
0xa6: {  	[sflag:s23] =	ssyncadd.s32 s5;
	_ =	sdelay $0x1  }
0xa7: {  	s24 =	simm.s32 $0x1B8B  }
0xa8: {  	_ =	swait.ge [sflag:s24], $0x1  }
0xa9: {  	[sflag:s24] =	ssyncset.done $0x0  }
0xaa: {  	s25 =	simm.s32 $0x1B8E;
	[sflag:s24] =	ssyncadd.s32 $0xFFFFFFFF  }
0xab: {  	s26 =	simm.s32 $execute0_lowered;
	[smem:$0x3FD2] =	sst s25  }
0xac: {  	s5 =	sshll.u32 s26, $0x1;
	_ =	strace $0x80000046;
	[dreg:$0x1] =	wrdreg $0xFFFFFFFF  }
0xad: {  	s28 =	simm.s32 $_size_execute0_lowered;
	s4 =	sadd.s32 s4, s5;
	[dreg:$0x0] =	wrdreg $0x0  }
0xae: {  	s5 =	sshll.u32 s28, $0x1;
	[dreg:$0x2] =	wrdreg s4  }
0xaf: {  	[dreg:$0x3] =	wrdreg s5  }
0xb0: {  	[dreg:$0x4] =	wrdreg $0xC0  }
0xb1: {  	_ =	task [dreg:s8], $0x5FFFF  }
0xb2: {  	[dreg:$0x1] =	wrdreg $0xFFFFFFFF  }
0xb3: {  	[dreg:$0x0] =	wrdreg $0x60  }
0xb4: {  	[dreg:$0x2] =	wrdreg s16  }
0xb5: {  	[dreg:$0x3] =	wrdreg s17  }
0xb6: {  	[dreg:$0x4] =	wrdreg $0x9  }
0xb7: {  	_ =	task.clear_ibuf [dreg:s8], $0x5FFFF;
	_ =	strace $0x90000046  }
0xb8: {  	s29 =	simm.s32 $0x9;
	_ =	strace $0x80000048  }
0xb9: {  	_ =	swait.ge [sflag:s29], $0x1  }
0xba: {  	[sflag:s29] =	ssyncadd.s32 $0xFFFFFFFF  }
0xbb: {  	_ =	strace $0x90000048  }
0xbc: {  	_ =	sfence  }
0xbd: {  	s30 =	sld [smem:$0x0];
	_ =	sdelay $0x2  }
0xbe: {  	s31 =	sshll.u32 s1, $0xD;
	s1 =	sshrl.u32 s1, $0x2  }
0xbf: {  	s3 =	sand.u32 $0x4000, s31;
	s1 =	sadd.s32 s1, s30  }
0xc0: {  	s0 =	sor.u32 s3, s0;
	s1 =	sshll.u32 s1, $0x11  }
0xc1: {  	s0 =	sor.u32 s1, s0  }
0xc2: {  	s0 =	sadd.s32 $0x8F2B, s0  }
0xc3: {  	[sflag:s0] =	ssyncadd.remote.s32 $0x1  }
0xc4: {  	_ =	sfence.sel $0xFFFF  }
0xc5: {  	[dreg:$0x0] =	wrdreg $0xFFFFFFFF;
	(pc) =	sbr.abs _section_cstart, $3  }
0xc6: {  	[dreg:$0x1] =	wrdreg $0xFFFFFFFF  }
0xc7: {  	_ =	task.clear_ibuf [dreg:s8], $0x2FFFF;
	_ =	strace $0x9FFFFFFF  }
0xc8: {  	(tm) =	ssettm $0x7FFFFFFF  }
0xc9: {  	_ =	shalt  }
tec
execute0_lowered:
.L_overlay_start_1:
0x0: {  	(tag) =	ssettag $0x1  }
0x1: {  	s0 =	stileid.u32  }
0x2: {  	p0 =	seq.s32 s0, $0xF  }
.Ltmp0:
0x3: {  	_ = 	snop;
	(pc) =	sbr.rel @p0 .LBB2_9-.Ltmp0, $4  }
0x4: {  	_ = 	snop  }
0x5: {  	s2 =	simm.s32 $0x0  }
0x6: {  	[smem:$0x7FF] =	sst s2  }
0x7: {  	_ =	strace $0x80000047  }
0x8: {  	s0 =	srdreg.scid;
	s1 =	stileid.u32  }
0x9: {  	s0 =	sand.u32 $0x1, s0;
	s1 =	sshll.u32 s1, $0x1  }
0xa: {  	s4 =	ssub.s32 $0x2, s0;
	s0 =	sor.u32 s0, s1  }
0xb: {  	s30 =	sshrl.u32 s4, $0x1;
	s3 =	sshll.u32 s0, $0x11;
	s0 =	smul.u32 $0x140000, s0  }
0xc: {  	s9 =	simm.s32 $0x8000;
	[dreg:$0x5] =	wrdreg s3;
	s31 =	ssub.s32 s4, s30  }
0xd: {  	s10 =	simm.s32 $0x1;
	[dreg:$0x6] =	wrdreg s0;
	s0 =	smax.u32 s31, $0x1  }
0xe: {  	v0 =	vimm.f32 $-1.000000000e+09;
	s12 =	simm.s32 $0x2;
	s3 =	simm.s32 $0x800;
	[dreg:$0x7] =	wrdreg s0  }
.LBB2_2:
0xf: {  	[dreg:$0x4] =	wrdreg s2;
	s14 =	simm.s32 $0x0  }
.LBB2_3:
0x10: {  	s15 =	sshll.u32 s14, $0xB;
	s0 =	rddreg [dreg:$0x5]  }
0x11: {  	s0 =	sadd.s32 s0, s15  }
0x12: {  	s1 =	rddreg [dreg:$0x0];
	s0 =	sshrl.u32 s0, $0x3  }
0x13: {  	s31 =	simm.s32 $0x0;
	s0 =	sadd.s32 s1, s0  }
0x14: {  	[tilespmem:s31], [sflag:$0x1] =	stream.strided.gather [hbm4b:s0+s3], $0x2000, s9, s3, $0x38;
	[tilespmem:$0x16000] =	vst v63  }
0x15: {  	_ =	swait.ge [sflag:s10], $0x2000  }
0x16: {  	[sflag:s10] =	ssyncset.done $0x0  }
0x17: {  	s16 =	simm.s32 $0x0;
	[sflag:s10] =	ssyncadd.s32 $0xFFFFE000  }
.LBB2_4:
0x18: {  	s0 =	sshll.u32 s16, $0x8;
	s1 =	sshll.u32 s16, $0x7  }
0x19: {  	s4 =	simm.s32 $0x0;
	s0 =	sand.u32 $0x1800, s0;
	s1 =	sand.u32 $0x380, s1  }
0x1a: {  	s24 =	sor.u32 s0, s1;
	s1 =	sand.u32 $0x400, s4  }
0x1b: {  	s31 =	sand.u32 $0x70, s4;
	s0 =	sor.u32 s1, s24  }
0x1c: {  	s0 =	sor.u32 s31, s0  }
0x1d: {  	v1 =	vld [tilespmem:s0+$0x0];
	_ =	sdelay $0x2  }
0x1e: {  	s11 =	sor.u32 $0x4000, s24;
	s25 =	sor.u32 $0x6000, s24  }
0x1f: {  	s23 =	sor.u32 $0x8000, s24;
	s22 =	sor.u32 $0xA000, s24;
	[dreg:$0x3] =	wrdreg s11  }
0x20: {  	s21 =	sor.u32 $0xC000, s24;
	s20 =	sor.u32 $0xE000, s24;
	s4 =	rddreg [dreg:$0x3];
	vm0 =	veq.s32 v1, $0x0  }
0x21: {  	s19 =	sor.u32 $0x10000, s24;
	s18 =	sor.u32 $0x12000, s24;
	s4 =	sadd.s32 s1, s4;
	vm1 =	veq.s32 v1, $0x1;
	v2 =	vsel vm0, $0x4E6E6B28, v0  }
0x22: {  	s17 =	sor.u32 $0x14000, s24;
	s7 =	sadd.s32 s1, s25;
	s13 =	sadd.s32 s31, s4;
	vm8 =	veq.s32 v1, $0x2;
	[tilespmem:s0+$0x2000] =	vst v2;
	v2 =	vsel vm1, $0x4E6E6B28, v0  }
0x23: {  	s26 =	sadd.s32 s1, s23;
	s3 =	sadd.s32 s1, s22;
	s2 =	sadd.s32 s31, s7;
	vm9 =	veq.s32 v1, $0x3;
	[tilespmem:s13+$0x0] =	vst v2;
	v2 =	vsel vm8, $0x4E6E6B28, v0  }
0x24: {  	s28 =	sadd.s32 s1, s21;
	s6 =	sadd.s32 s1, s20;
	s5 =	sadd.s32 s31, s26;
	vm10 =	veq.s32 v1, $0x4;
	[tilespmem:s2+$0x0] =	vst v2;
	v2 =	vsel vm9, $0x4E6E6B28, v0  }
0x25: {  	s30 =	sadd.s32 s1, s19;
	s7 =	sadd.s32 s31, s3;
	s8 =	sadd.s32 s31, s28;
	vm11 =	veq.s32 v1, $0x5;
	[tilespmem:s5+$0x0] =	vst v2;
	v2 =	vsel vm10, $0x4E6E6B28, v0  }
0x26: {  	s3 =	rddreg [dreg:$0x3];
	s11 =	sadd.s32 s31, s6;
	s4 =	simm.s32 $0x10;
	vm12 =	veq.s32 v1, $0x6;
	[tilespmem:s7+$0x0] =	vst v2;
	v2 =	vsel vm11, $0x4E6E6B28, v0  }
0x27: {  	s28 =	simm.s32 $0x80;
	s26 =	sand.u32 $0x70, s4;
	vm13 =	veq.s32 v1, $0x7;
	s0 =	simm.s32 $0x20;
	[tilespmem:s8+$0x0] =	vst v2;
	v2 =	vsel vm12, $0x4E6E6B28, v0  }
0x28: {  	vm14 =	veq.s32 v1, $0x8;
	s13 =	sadd.s32 s31, s30;
	s2 =	sadd.s32 s1, s18;
	s1 =	sadd.s32 s1, s17;
	[tilespmem:s11+$0x0] =	vst v2;
	v2 =	vsel vm13, $0x4E6E6B28, v0  }
0x29: {  	vm15 =	veq.s32 v1, $0x9;
	v1 =	vsel vm14, $0x4E6E6B28, v0;
	s30 =	sand.u32 $0x400, s28;
	s29 =	sadd.s32 s31, s1;
	s2 =	sadd.s32 s31, s2;
	[tilespmem:s13+$0x0] =	vst v2  }
0x2a: {  	s31 =	sor.u32 s30, s24;
	s1 =	sadd.s32 s30, s25;
	s7 =	sadd.s32 s30, s3;
	[tilespmem:s2+$0x0] =	vst v1;
	v1 =	vsel vm15, $0x4E6E6B28, v0  }
.LBB2_5:
0x2b: {  	s2 =	sor.u32 s26, s31;
	[tilespmem:s29+$0x0] =	vst v1  }
0x2c: {  	v1 =	vld [tilespmem:s2+$0x0];
	_ =	sdelay $0x4  }
0x2d: {  	vm0 =	veq.s32 v1, $0x0  }
0x2e: {  	s3 =	sadd.s32 s30, s23;
	vm1 =	veq.s32 v1, $0x1;
	v2 =	vsel vm0, $0x4E6E6B28, v0  }
0x2f: {  	s11 =	sadd.s32 s30, s22;
	s31 =	smov.u32 s0;
	s7 =	sadd.s32 s26, s7;
	vm2 =	veq.s32 v1, $0x2;
	vm12 =	veq.s32 v1, $0x3;
	[tilespmem:s2+$0x2000] =	vst v2;
	v2 =	vsel vm1, $0x4E6E6B28, v0  }
0x30: {  	s13 =	sadd.s32 s30, s21;
	s5 =	sadd.s32 s30, s20;
	vm3 =	veq.s32 v1, $0x4;
	vm13 =	veq.s32 v1, $0x5;
	s2 =	sadd.s32 s26, s1;
	[tilespmem:s7+$0x0] =	vst v2;
	v2 =	vsel vm2, $0x4E6E6B28, v0  }
0x31: {  	s6 =	sadd.s32 s30, s19;
	s4 =	sadd.s32 $0x10, s0;
	vm4 =	veq.s32 v1, $0x6;
	vm14 =	veq.s32 v1, $0x7;
	s7 =	sadd.s32 s26, s3;
	[tilespmem:s2+$0x0] =	vst v2;
	v2 =	vsel vm12, $0x4E6E6B28, v0  }
0x32: {  	s8 =	sadd.s32 s30, s18;
	p0 =	sne.s32 s0, $0xF0;
	vm5 =	veq.s32 v1, $0x8;
	vm15 =	veq.s32 v1, $0x9;
	v1 =	vsel vm3, $0x4E6E6B28, v0;
	s1 =	sadd.s32 s26, s11;
	[tilespmem:s7+$0x0] =	vst v2  }
.Ltmp1:
0x33: {  	s29 =	sadd.s32 s30, s17;
	s2 =	sadd.s32 s26, s13;
	[tilespmem:s1+$0x0] =	vst v1;
	v1 =	vsel vm13, $0x4E6E6B28, v0;
	(pc) =	sbr.rel @p0 .LBB2_5-.Ltmp1, $4  }
0x34: {  	s28 =	sadd.s32 $0x80, s28;
	s29 =	sadd.s32 s26, s29;
	s7 =	sadd.s32 s26, s5;
	[tilespmem:s2+$0x0] =	vst v1;
	v1 =	vsel vm4, $0x4E6E6B28, v0  }
0x35: {  	s30 =	sand.u32 $0x400, s28;
	s0 =	smov.u32 s4;
	s11 =	sadd.s32 s26, s6;
	[tilespmem:s7+$0x0] =	vst v1;
	v1 =	vsel vm14, $0x4E6E6B28, v0  }
0x36: {  	s3 =	rddreg [dreg:$0x3];
	s13 =	sadd.s32 s26, s8;
	s26 =	sand.u32 $0x70, s31;
	[tilespmem:s11+$0x0] =	vst v1;
	v1 =	vsel vm5, $0x4E6E6B28, v0  }
0x37: {  	s31 =	sor.u32 s30, s24;
	s1 =	sadd.s32 s30, s25;
	s7 =	sadd.s32 s30, s3;
	[tilespmem:s13+$0x0] =	vst v1;
	v1 =	vsel vm15, $0x4E6E6B28, v0  }
0x38: {  	s0 =	sor.u32 s26, s31;
	[tilespmem:s29+$0x0] =	vst v1  }
0x39: {  	v1 =	vld [tilespmem:s0+$0x0];
	_ =	sdelay $0x4  }
0x3a: {  	vm0 =	veq.s32 v1, $0x0  }
0x3b: {  	vm1 =	veq.s32 v1, $0x1;
	v2 =	vsel vm0, $0x4E6E6B28, v0  }
0x3c: {  	s5 =	sadd.s32 s26, s7;
	vm8 =	veq.s32 v1, $0x2;
	[tilespmem:s0+$0x2000] =	vst v2;
	v2 =	vsel vm1, $0x4E6E6B28, v0  }
0x3d: {  	s2 =	sadd.s32 s30, s23;
	s6 =	sadd.s32 s26, s1;
	vm9 =	veq.s32 v1, $0x3;
	[tilespmem:s5+$0x0] =	vst v2;
	v2 =	vsel vm8, $0x4E6E6B28, v0  }
0x3e: {  	s7 =	sadd.s32 s30, s22;
	s8 =	sadd.s32 s26, s2;
	vm10 =	veq.s32 v1, $0x4;
	[tilespmem:s6+$0x0] =	vst v2;
	v2 =	vsel vm9, $0x4E6E6B28, v0  }
0x3f: {  	s11 =	sadd.s32 s30, s21;
	s16 =	sadd.s32 $0x1, s16;
	s13 =	sadd.s32 s26, s7;
	vm11 =	veq.s32 v1, $0x5;
	[tilespmem:s8+$0x0] =	vst v2;
	v2 =	vsel vm10, $0x4E6E6B28, v0  }
0x40: {  	s21 =	sadd.s32 s30, s20;
	s22 =	sadd.s32 s26, s11;
	p0 =	sne.s32 s16, $0x1E;
	vm12 =	veq.s32 v1, $0x6;
	[tilespmem:s13+$0x0] =	vst v2;
	v2 =	vsel vm11, $0x4E6E6B28, v0  }
.Ltmp2:
0x41: {  	s23 =	sadd.s32 s30, s19;
	s24 =	sadd.s32 s26, s21;
	vm13 =	veq.s32 v1, $0x7;
	[tilespmem:s22+$0x0] =	vst v2;
	v2 =	vsel vm12, $0x4E6E6B28, v0;
	(pc) =	sbr.rel @p0 .LBB2_4-.Ltmp2, $4  }
0x42: {  	s25 =	sadd.s32 s30, s18;
	s28 =	sadd.s32 s26, s23;
	vm14 =	veq.s32 v1, $0x8;
	[tilespmem:s24+$0x0] =	vst v2;
	v2 =	vsel vm13, $0x4E6E6B28, v0  }
0x43: {  	s29 =	sadd.s32 s30, s17;
	s30 =	sadd.s32 s26, s25;
	vm15 =	veq.s32 v1, $0x9;
	v1 =	vsel vm14, $0x4E6E6B28, v0;
	[tilespmem:s28+$0x0] =	vst v2  }
0x44: {  	s31 =	sadd.s32 s26, s29;
	[tilespmem:s30+$0x0] =	vst v1;
	v1 =	vsel vm15, $0x4E6E6B28, v0  }
0x45: {  	[tilespmem:s31+$0x0] =	vst v1  }
0x46: {  	s0 =	rddreg [dreg:$0x6]  }
0x47: {  	s1 =	rddreg [dreg:$0x1];
	s14 =	sadd.s32 $0x1, s14;
	s0 =	sadd.s32 s0, s15  }
0x48: {  	s3 =	simm.s32 $0x800;
	p0 =	sne.s32 s14, $0x10;
	s0 =	sshrl.u32 s0, $0x3  }
.Ltmp3:
0x49: {  	s31 =	simm.s32 $0x2000;
	s0 =	sadd.s32 s1, s0;
	(pc) =	sbr.rel @p0 .LBB2_3-.Ltmp3, $4  }
0x4a: {  	[hbm4b:s0+s3] =	stream.strided.scatter [tilespmem:s31], [sflag:$0x2], $0x14000, s9, s3, $0x38;
	[tilespmem:$0x16000] =	vst v63  }
0x4b: {  	_ =	swait.ge [sflag:s12], $0x14000  }
0x4c: {  	[sflag:s12] =	ssyncset.done $0x0  }
0x4d: {  	[sflag:s12] =	ssyncadd.s32 $0xFFFEC000  }
0x4e: {  	s2 =	rddreg [dreg:$0x4]  }
0x4f: {  	s0 =	rddreg [dreg:$0x7];
	s2 =	sadd.s32 $0x1, s2  }
0x50: {  	p0 =	sne.s32 s2, s0  }
.Ltmp4:
0x51: {  	_ = 	snop;
	(pc) =	sbr.rel @p0 .LBB2_2-.Ltmp4, $1  }
0x52: {  	_ =	sdelay $0x3  }
.LBB2_9:
0x53: {  	_ =	sfence.sel $0x180000  }
0x54: {  	[bflag:$0x0] =	sbarrier.arrive $0xFFFF  }
0x55: {  	_ =	strace $0x90000047  }
0x56: {  	s0 =	stileid.u32;
	[bflag:$0x2] =	sbarrier.arrive $0xFFFF  }
0x57: {  	p0 =	sne.s32 s0, $0x0;
	s0 =	rddreg [dreg:$0x2]  }
0x58: {  	s0 =	sadd.s32 @!p0 $0x100000, s0  }
0x59: {  	[sflag:s0] =	ssyncadd.tile.s32 @!p0 $0x1;
	_ =	shalt  }
.Lfunc_end2:
_tile_overlayer_lowered:
.L_overlay_start_2:
0x5a: {  	(tag) =	ssettag $0x2  }
0x5b: {  	s0 =	rddreg [dreg:$0x0];
	s2 =	stileid.u32  }
0x5c: {  	s1 =	rddreg [dreg:$0x1];
	p0 =	sne.s32 s2, $0x0  }
0x5d: {  	s3 =	rddreg [dreg:$0x2];
	[bflag:$0x3] =	sbarrier.arrive $0xFFFF;
	s2 =	simm.s32 @!p0 $0x1C03  }
0x5e: {  	[timem:s3], [sflag:s2] =	dma.local @!p0 [hbm:s0], s1  }
0x5f: {  	s0 =	simm.s32 @!p0 $0x3  }
0x60: {  	_ =	swait.ge @!p0 [sflag:s0], s1  }
0x61: {  	s1 =	ssub.s32 @!p0 $0x0, s1;
	[sflag:s0] =	ssyncset.done @!p0 $0x0  }
0x62: {  	[sflag:s0] =	ssyncadd.s32 @!p0 s1  }
0x63: {  	[bflag:$0x3] =	sbarrier.arrive $0xFFFF  }
0x64: {  	_ =	shalt  }

</sc_bundles>
